<compile_context>
chip_gen: v7x
topology: tpu7x:2x2x1
jax: 0.10.2.dev20260603
libtpu: 0.0.44.dev20260713+nightly
codegen_flags: <defaults>
</compile_context>

<pallas_src>
import functools

import jax
import jax.numpy as jnp
from jax import lax
from jax.experimental import pallas as pl
from jax.experimental.pallas import tpu as pltpu
from jax.experimental.pallas import tpu_sc as plsc

NF = 26
V = 100000
E = 32
B = 16384
H = 128
IN_DIM = NF * E

NC = 2
NS = 16
NW = NC * NS

R = NF * B
RPW = R // NW
DCH = 128
FIRE = 8
BUF = DCH * FIRE
NOUT = RPW // BUF
NIDX = RPW // DCH


def _make_gather():
    mesh = plsc.VectorSubcoreMesh(core_axis_name="c", subcore_axis_name="s")

    @functools.partial(
        pl.kernel,
        mesh=mesh,
        out_type=jax.ShapeDtypeStruct((R, E), jnp.float32),
        compiler_params=pltpu.CompilerParams(use_tc_tiling_on_sc=False),
        scratch_types=[
            pltpu.VMEM((NIDX, DCH), jnp.int32),
            pltpu.VMEM((BUF, E), jnp.float32),
            pltpu.SemaphoreType.DMA,
        ],
    )
    def gather_k(tab_hbm, idx_hbm, out_hbm, idx_v, buf, sem):
        wid = lax.axis_index("s") * NC + lax.axis_index("c")
        base = wid * RPW
        pltpu.sync_copy(idx_hbm.at[wid], idx_v)

        def body(k, carry):
            descs = []
            for j in range(FIRE):
                descs.append(
                    pltpu.async_copy(
                        tab_hbm.at[idx_v.at[k * FIRE + j]],
                        buf.at[pl.ds(j * DCH, DCH)],
                        sem,
                    )
                )
            for d in descs:
                d.wait()
            pltpu.sync_copy(buf, out_hbm.at[pl.ds(base + k * BUF, BUF)])
            return carry

        lax.fori_loop(0, NOUT, body, 0)

    return gather_k


_gather = _make_gather()


def _mm_body(cat_ref, w_ref, b_ref, o_ref):
    acc = jnp.dot(cat_ref[...], w_ref[...], preferred_element_type=jnp.float32)
    o_ref[...] = jnp.tanh(acc + b_ref[...])


BB = 1024

_matmul = pl.pallas_call(
    _mm_body,
    grid=(B // BB,),
    in_specs=[
        pl.BlockSpec((BB, IN_DIM), lambda i: (i, 0)),
        pl.BlockSpec((IN_DIM, H), lambda i: (0, 0)),
        pl.BlockSpec((1, H), lambda i: (0, 0)),
    ],
    out_specs=pl.BlockSpec((BB, H), lambda i: (i, 0)),
    out_shape=jax.ShapeDtypeStruct((B, H), jnp.float32),
)


def kernel(x, tables, W, b):
    offs = (jnp.arange(NF, dtype=jnp.int32) * V)[:, None]
    g_idx = (x + offs).T.reshape(NW, NIDX, DCH)
    tab = tables.reshape(NF * V, E)
    cat = _gather(tab, g_idx).reshape(B, IN_DIM)
    return _matmul(cat, W, b.reshape(1, H))

# --- scband reference (transcript-rebuilt; emitter-appended) ---
"""Pipeline reference for scband-categorical-encoder-1855425871914 (READ-ONLY COPY).

The authoritative reference and input builder live on the scoring server;
editing this copy changes nothing except your own understanding.
"""

import jax, jax.numpy as jnp
import numpy as np

NUM_FIELDS = 26
VOCAB = 100000
EMB = 32
BATCH = 16384
HIDDEN = 128
IN_DIM = NUM_FIELDS * EMB  # 832


def setup_inputs(seed: int = 0) -> dict:
    key = jax.random.key(seed)
    k1, k2, k3 = jax.random.split(key, 3)
    # forward arg: x is a stack of per-field index vectors, iterated over dim 0
    x = jax.random.randint(k1, (NUM_FIELDS, BATCH), 0, VOCAB, dtype=jnp.int32)
    # learned params
    tables = jax.random.normal(k2, (NUM_FIELDS, VOCAB, EMB), dtype=jnp.float32) * 0.02
    W = jax.random.normal(k3, (IN_DIM, HIDDEN), dtype=jnp.float32) * 0.02
    b = jnp.zeros((HIDDEN,), dtype=jnp.float32)
    return {"x": x, "tables": tables, "W": W, "b": b}


def reference(x, tables, W, b):
    # per-field embedding lookup: embeddings[f](x[f]) -> [B, EMB]
    # vectorized over fields: [NUM_FIELDS, B, EMB]
    emb = jax.vmap(lambda t, idx: jnp.take(t, idx, axis=0))(tables, x)
    # torch.cat(embList, 1): field-major concatenation along feature dim
    cat = jnp.transpose(emb, (1, 0, 2)).reshape(BATCH, IN_DIM)
    # MultilayerDense with hiddenSizes=[128], activation=tanh, no BN/LN/dropout
    out = jnp.tanh(cat @ W + b)
    return out

if __name__ == "__main__":
    import jax
    _d = setup_inputs()
    print(jax.jit(kernel)(*tuple(_d.values())))

</pallas_src>

<mosaic_0001>
#map = affine_map<(d0, d1) -> (0, 0)>
#map1 = affine_map<(d0, d1) -> (0, 0, 0)>
module attributes {stable_mosaic.version = 14 : i64} {
  func.func @gather_k(%arg0: i32, %arg1: i32, %arg2: memref<2600000x32xf32, #tpu.memory_space<hbm>>, %arg3: memref<32x104x128xi32, #tpu.memory_space<hbm>>, %arg4: memref<425984x32xf32, #tpu.memory_space<hbm>>, %arg5: memref<104x128xi32, #tpu.memory_space<vmem>>, %arg6: memref<1024x32xf32, #tpu.memory_space<vmem>>, %arg7: memref<!tpu.dma_semaphore, #tpu.memory_space<semaphore_mem>>) attributes {dimension_semantics = [#tpu.dimension_semantics<core_parallel>, #tpu.dimension_semantics<subcore_parallel>], iteration_bounds = array<i64: 2, 16>, scalar_prefetch = 0 : i64, scratch_operands = 3 : i64, tpu.core_type = #tpu.core_type<sc_vector_subcore>, window_params = [{transform_indices = #map}, {transform_indices = #map1}, {transform_indices = #map}]} {
    %mul3A = arith.constant 2 : i32
    %mul3A_0 = arith.muli %arg1, %mul3A : i32
    %add3A = arith.addi %mul3A_0, %arg0 : i32
    %mul3A_1 = arith.constant 13312 : i32
    %mul3A_2 = arith.muli %add3A, %mul3A_1 : i32
    "tpu.region"() ({
      %run_scoped3A = tpu.sem_alloc : memref<!tpu.dma_semaphore, #tpu.memory_space<semaphore_mem>>
      %dma_start3A = arith.constant 0 : i32
      %dma_start3A_8 = arith.constant 0 : i32
      %dma_start3A_9 = tpu.memref_slice %arg3[%add3A, %dma_start3A, %dma_start3A_8] : memref<32x104x128xi32, #tpu.memory_space<hbm>> -> memref<1x104x128xi32, #tpu.memory_space<hbm>>
      %dma_start3A_10 = tpu.memref_squeeze %dma_start3A_9 : memref<1x104x128xi32, #tpu.memory_space<hbm>> -> memref<104x128xi32, #tpu.memory_space<hbm>>
      %dma_start3A_11 = arith.constant 0 : i32
      %dma_start3A_12 = arith.constant 0 : i32
      %dma_start3A_13 = tpu.memref_slice %arg3[%add3A, %dma_start3A_11, %dma_start3A_12] : memref<32x104x128xi32, #tpu.memory_space<hbm>> -> memref<1x104x128xi32, #tpu.memory_space<hbm>>
      %dma_start3A_14 = tpu.memref_squeeze %dma_start3A_13 : memref<1x104x128xi32, #tpu.memory_space<hbm>> -> memref<104x128xi32, #tpu.memory_space<hbm>>
      tpu.enqueue_dma source(%dma_start3A_14 : memref<104x128xi32, #tpu.memory_space<hbm>>) target(%arg5 : memref<104x128xi32, #tpu.memory_space<vmem>>) target_semaphore(%run_scoped3A : memref<!tpu.dma_semaphore, #tpu.memory_space<semaphore_mem>>)
      %dma_wait3A = arith.constant 0 : i32
      %dma_wait3A_15 = arith.constant 0 : i32
      %dma_wait3A_16 = tpu.memref_slice %arg3[%add3A, %dma_wait3A, %dma_wait3A_15] : memref<32x104x128xi32, #tpu.memory_space<hbm>> -> memref<1x104x128xi32, #tpu.memory_space<hbm>>
      %dma_wait3A_17 = tpu.memref_squeeze %dma_wait3A_16 : memref<1x104x128xi32, #tpu.memory_space<hbm>> -> memref<104x128xi32, #tpu.memory_space<hbm>>
      %dma_wait3A_18 = arith.constant 0 : i32
      %dma_wait3A_19 = arith.constant 0 : i32
      %dma_wait3A_20 = tpu.memref_slice %arg3[%add3A, %dma_wait3A_18, %dma_wait3A_19] : memref<32x104x128xi32, #tpu.memory_space<hbm>> -> memref<1x104x128xi32, #tpu.memory_space<hbm>>
      %dma_wait3A_21 = tpu.memref_squeeze %dma_wait3A_20 : memref<1x104x128xi32, #tpu.memory_space<hbm>> -> memref<104x128xi32, #tpu.memory_space<hbm>>
      tpu.wait_dma2 semaphore(%run_scoped3A : memref<!tpu.dma_semaphore, #tpu.memory_space<semaphore_mem>>) src(%dma_wait3A_21 : memref<104x128xi32, #tpu.memory_space<hbm>>) dst(%arg5 : memref<104x128xi32, #tpu.memory_space<vmem>>)
      tpu.yield
    }) : () -> ()
    %scan3A = arith.constant 0 : i32
    %scan3A_3 = arith.constant 0 : i32
    %scan3A_4 = arith.constant 13 : i32
    %scan3A_5 = arith.addi %scan3A_3, %scan3A_4 : i32
    %scan3A_6 = arith.constant 1 : i32
    scf.for %scan3A_8 = %scan3A_3 to %scan3A_5 step %scan3A_6  : i32 {
      %mul3A_9 = arith.constant 8 : i32
      %mul3A_10 = arith.muli %scan3A_8, %mul3A_9 : i32
      %add3A_11 = arith.constant 0 : i32
      %add3A_12 = arith.addi %mul3A_10, %add3A_11 : i32
      %dma_start3A = arith.constant 0 : i32
      %dma_start3A_13 = arith.constant 0 : i32
      %dma_start3A_14 = tpu.memref_slice %arg6[%dma_start3A, %dma_start3A_13] : memref<1024x32xf32, #tpu.memory_space<vmem>> -> memref<128x32xf32, #tpu.memory_space<vmem>>
      %dma_start3A_15 = arith.constant 0 : i32
      %dma_start3A_16 = tpu.memref_slice %arg5[%add3A_12, %dma_start3A_15] : memref<104x128xi32, #tpu.memory_space<vmem>> -> memref<1x128xi32, #tpu.memory_space<vmem>>
      %dma_start3A_17 = tpu.memref_squeeze %dma_start3A_16 : memref<1x128xi32, #tpu.memory_space<vmem>> -> memref<128xi32, #tpu.memory_space<vmem>>
      %dma_start3A_18 = arith.constant 0 : i32
      %dma_start3A_19 = arith.constant 0 : i32
      %dma_start3A_20 = tpu.memref_slice %arg2[%dma_start3A_18, %dma_start3A_19] : memref<2600000x32xf32, #tpu.memory_space<hbm>> -> memref<2600000x32xf32, #tpu.memory_space<hbm>>
      tpu.enqueue_indirect_dma source(%dma_start3A_20 : memref<2600000x32xf32, #tpu.memory_space<hbm>>) target(%dma_start3A_14 : memref<128x32xf32, #tpu.memory_space<vmem>>) offsets(%dma_start3A_17 : memref<128xi32, #tpu.memory_space<vmem>>) semaphore(%arg7 : memref<!tpu.dma_semaphore, #tpu.memory_space<semaphore_mem>>)
      %mul3A_21 = arith.constant 8 : i32
      %mul3A_22 = arith.muli %scan3A_8, %mul3A_21 : i32
      %add3A_23 = arith.constant 1 : i32
      %add3A_24 = arith.addi %mul3A_22, %add3A_23 : i32
      %dma_start3A_25 = arith.constant 128 : i32
      %dma_start3A_26 = arith.constant 0 : i32
      %dma_start3A_27 = tpu.memref_slice %arg6[%dma_start3A_25, %dma_start3A_26] : memref<1024x32xf32, #tpu.memory_space<vmem>> -> memref<128x32xf32, #tpu.memory_space<vmem>>
      %dma_start3A_28 = arith.constant 0 : i32
      %dma_start3A_29 = tpu.memref_slice %arg5[%add3A_24, %dma_start3A_28] : memref<104x128xi32, #tpu.memory_space<vmem>> -> memref<1x128xi32, #tpu.memory_space<vmem>>
      %dma_start3A_30 = tpu.memref_squeeze %dma_start3A_29 : memref<1x128xi32, #tpu.memory_space<vmem>> -> memref<128xi32, #tpu.memory_space<vmem>>
      %dma_start3A_31 = arith.constant 0 : i32
      %dma_start3A_32 = arith.constant 0 : i32
      %dma_start3A_33 = tpu.memref_slice %arg2[%dma_start3A_31, %dma_start3A_32] : memref<2600000x32xf32, #tpu.memory_space<hbm>> -> memref<2600000x32xf32, #tpu.memory_space<hbm>>
      tpu.enqueue_indirect_dma source(%dma_start3A_33 : memref<2600000x32xf32, #tpu.memory_space<hbm>>) target(%dma_start3A_27 : memref<128x32xf32, #tpu.memory_space<vmem>>) offsets(%dma_start3A_30 : memref<128xi32, #tpu.memory_space<vmem>>) semaphore(%arg7 : memref<!tpu.dma_semaphore, #tpu.memory_space<semaphore_mem>>)
      %mul3A_34 = arith.constant 8 : i32
      %mul3A_35 = arith.muli %scan3A_8, %mul3A_34 : i32
      %add3A_36 = arith.constant 2 : i32
      %add3A_37 = arith.addi %mul3A_35, %add3A_36 : i32
      %dma_start3A_38 = arith.constant 256 : i32
      %dma_start3A_39 = arith.constant 0 : i32
      %dma_start3A_40 = tpu.memref_slice %arg6[%dma_start3A_38, %dma_start3A_39] : memref<1024x32xf32, #tpu.memory_space<vmem>> -> memref<128x32xf32, #tpu.memory_space<vmem>>
      %dma_start3A_41 = arith.constant 0 : i32
      %dma_start3A_42 = tpu.memref_slice %arg5[%add3A_37, %dma_start3A_41] : memref<104x128xi32, #tpu.memory_space<vmem>> -> memref<1x128xi32, #tpu.memory_space<vmem>>
      %dma_start3A_43 = tpu.memref_squeeze %dma_start3A_42 : memref<1x128xi32, #tpu.memory_space<vmem>> -> memref<128xi32, #tpu.memory_space<vmem>>
      %dma_start3A_44 = arith.constant 0 : i32
      %dma_start3A_45 = arith.constant 0 : i32
      %dma_start3A_46 = tpu.memref_slice %arg2[%dma_start3A_44, %dma_start3A_45] : memref<2600000x32xf32, #tpu.memory_space<hbm>> -> memref<2600000x32xf32, #tpu.memory_space<hbm>>
      tpu.enqueue_indirect_dma source(%dma_start3A_46 : memref<2600000x32xf32, #tpu.memory_space<hbm>>) target(%dma_start3A_40 : memref<128x32xf32, #tpu.memory_space<vmem>>) offsets(%dma_start3A_43 : memref<128xi32, #tpu.memory_space<vmem>>) semaphore(%arg7 : memref<!tpu.dma_semaphore, #tpu.memory_space<semaphore_mem>>)
      %mul3A_47 = arith.constant 8 : i32
      %mul3A_48 = arith.muli %scan3A_8, %mul3A_47 : i32
      %add3A_49 = arith.constant 3 : i32
      %add3A_50 = arith.addi %mul3A_48, %add3A_49 : i32
      %dma_start3A_51 = arith.constant 384 : i32
      %dma_start3A_52 = arith.constant 0 : i32
      %dma_start3A_53 = tpu.memref_slice %arg6[%dma_start3A_51, %dma_start3A_52] : memref<1024x32xf32, #tpu.memory_space<vmem>> -> memref<128x32xf32, #tpu.memory_space<vmem>>
      %dma_start3A_54 = arith.constant 0 : i32
      %dma_start3A_55 = tpu.memref_slice %arg5[%add3A_50, %dma_start3A_54] : memref<104x128xi32, #tpu.memory_space<vmem>> -> memref<1x128xi32, #tpu.memory_space<vmem>>
      %dma_start3A_56 = tpu.memref_squeeze %dma_start3A_55 : memref<1x128xi32, #tpu.memory_space<vmem>> -> memref<128xi32, #tpu.memory_space<vmem>>
      %dma_start3A_57 = arith.constant 0 : i32
      %dma_start3A_58 = arith.constant 0 : i32
      %dma_start3A_59 = tpu.memref_slice %arg2[%dma_start3A_57, %dma_start3A_58] : memref<2600000x32xf32, #tpu.memory_space<hbm>> -> memref<2600000x32xf32, #tpu.memory_space<hbm>>
      tpu.enqueue_indirect_dma source(%dma_start3A_59 : memref<2600000x32xf32, #tpu.memory_space<hbm>>) target(%dma_start3A_53 : memref<128x32xf32, #tpu.memory_space<vmem>>) offsets(%dma_start3A_56 : memref<128xi32, #tpu.memory_space<vmem>>) semaphore(%arg7 : memref<!tpu.dma_semaphore, #tpu.memory_space<semaphore_mem>>)
      %mul3A_60 = arith.constant 8 : i32
      %mul3A_61 = arith.muli %scan3A_8, %mul3A_60 : i32
      %add3A_62 = arith.constant 4 : i32
      %add3A_63 = arith.addi %mul3A_61, %add3A_62 : i32
      %dma_start3A_64 = arith.constant 512 : i32
      %dma_start3A_65 = arith.constant 0 : i32
      %dma_start3A_66 = tpu.memref_slice %arg6[%dma_start3A_64, %dma_start3A_65] : memref<1024x32xf32, #tpu.memory_space<vmem>> -> memref<128x32xf32, #tpu.memory_space<vmem>>
      %dma_start3A_67 = arith.constant 0 : i32
      %dma_start3A_68 = tpu.memref_slice %arg5[%add3A_63, %dma_start3A_67] : memref<104x128xi32, #tpu.memory_space<vmem>> -> memref<1x128xi32, #tpu.memory_space<vmem>>
      %dma_start3A_69 = tpu.memref_squeeze %dma_start3A_68 : memref<1x128xi32, #tpu.memory_space<vmem>> -> memref<128xi32, #tpu.memory_space<vmem>>
      %dma_start3A_70 = arith.constant 0 : i32
      %dma_start3A_71 = arith.constant 0 : i32
      %dma_start3A_72 = tpu.memref_slice %arg2[%dma_start3A_70, %dma_start3A_71] : memref<2600000x32xf32, #tpu.memory_space<hbm>> -> memref<2600000x32xf32, #tpu.memory_space<hbm>>
      tpu.enqueue_indirect_dma source(%dma_start3A_72 : memref<2600000x32xf32, #tpu.memory_space<hbm>>) target(%dma_start3A_66 : memref<128x32xf32, #tpu.memory_space<vmem>>) offsets(%dma_start3A_69 : memref<128xi32, #tpu.memory_space<vmem>>) semaphore(%arg7 : memref<!tpu.dma_semaphore, #tpu.memory_space<semaphore_mem>>)
      %mul3A_73 = arith.constant 8 : i32
      %mul3A_74 = arith.muli %scan3A_8, %mul3A_73 : i32
      %add3A_75 = arith.constant 5 : i32
      %add3A_76 = arith.addi %mul3A_74, %add3A_75 : i32
      %dma_start3A_77 = arith.constant 640 : i32
      %dma_start3A_78 = arith.constant 0 : i32
      %dma_start3A_79 = tpu.memref_slice %arg6[%dma_start3A_77, %dma_start3A_78] : memref<1024x32xf32, #tpu.memory_space<vmem>> -> memref<128x32xf32, #tpu.memory_space<vmem>>
      %dma_start3A_80 = arith.constant 0 : i32
      %dma_start3A_81 = tpu.memref_slice %arg5[%add3A_76, %dma_start3A_80] : memref<104x128xi32, #tpu.memory_space<vmem>> -> memref<1x128xi32, #tpu.memory_space<vmem>>
      %dma_start3A_82 = tpu.memref_squeeze %dma_start3A_81 : memref<1x128xi32, #tpu.memory_space<vmem>> -> memref<128xi32, #tpu.memory_space<vmem>>
      %dma_start3A_83 = arith.constant 0 : i32
      %dma_start3A_84 = arith.constant 0 : i32
      %dma_start3A_85 = tpu.memref_slice %arg2[%dma_start3A_83, %dma_start3A_84] : memref<2600000x32xf32, #tpu.memory_space<hbm>> -> memref<2600000x32xf32, #tpu.memory_space<hbm>>
      tpu.enqueue_indirect_dma source(%dma_start3A_85 : memref<2600000x32xf32, #tpu.memory_space<hbm>>) target(%dma_start3A_79 : memref<128x32xf32, #tpu.memory_space<vmem>>) offsets(%dma_start3A_82 : memref<128xi32, #tpu.memory_space<vmem>>) semaphore(%arg7 : memref<!tpu.dma_semaphore, #tpu.memory_space<semaphore_mem>>)
      %mul3A_86 = arith.constant 8 : i32
      %mul3A_87 = arith.muli %scan3A_8, %mul3A_86 : i32
      %add3A_88 = arith.constant 6 : i32
      %add3A_89 = arith.addi %mul3A_87, %add3A_88 : i32
      %dma_start3A_90 = arith.constant 768 : i32
      %dma_start3A_91 = arith.constant 0 : i32
      %dma_start3A_92 = tpu.memref_slice %arg6[%dma_start3A_90, %dma_start3A_91] : memref<1024x32xf32, #tpu.memory_space<vmem>> -> memref<128x32xf32, #tpu.memory_space<vmem>>
      %dma_start3A_93 = arith.constant 0 : i32
      %dma_start3A_94 = tpu.memref_slice %arg5[%add3A_89, %dma_start3A_93] : memref<104x128xi32, #tpu.memory_space<vmem>> -> memref<1x128xi32, #tpu.memory_space<vmem>>
      %dma_start3A_95 = tpu.memref_squeeze %dma_start3A_94 : memref<1x128xi32, #tpu.memory_space<vmem>> -> memref<128xi32, #tpu.memory_space<vmem>>
      %dma_start3A_96 = arith.constant 0 : i32
      %dma_start3A_97 = arith.constant 0 : i32
      %dma_start3A_98 = tpu.memref_slice %arg2[%dma_start3A_96, %dma_start3A_97] : memref<2600000x32xf32, #tpu.memory_space<hbm>> -> memref<2600000x32xf32, #tpu.memory_space<hbm>>
      tpu.enqueue_indirect_dma source(%dma_start3A_98 : memref<2600000x32xf32, #tpu.memory_space<hbm>>) target(%dma_start3A_92 : memref<128x32xf32, #tpu.memory_space<vmem>>) offsets(%dma_start3A_95 : memref<128xi32, #tpu.memory_space<vmem>>) semaphore(%arg7 : memref<!tpu.dma_semaphore, #tpu.memory_space<semaphore_mem>>)
      %mul3A_99 = arith.constant 8 : i32
      %mul3A_100 = arith.muli %scan3A_8, %mul3A_99 : i32
      %add3A_101 = arith.constant 7 : i32
      %add3A_102 = arith.addi %mul3A_100, %add3A_101 : i32
      %dma_start3A_103 = arith.constant 896 : i32
      %dma_start3A_104 = arith.constant 0 : i32
      %dma_start3A_105 = tpu.memref_slice %arg6[%dma_start3A_103, %dma_start3A_104] : memref<1024x32xf32, #tpu.memory_space<vmem>> -> memref<128x32xf32, #tpu.memory_space<vmem>>
      %dma_start3A_106 = arith.constant 0 : i32
      %dma_start3A_107 = tpu.memref_slice %arg5[%add3A_102, %dma_start3A_106] : memref<104x128xi32, #tpu.memory_space<vmem>> -> memref<1x128xi32, #tpu.memory_space<vmem>>
      %dma_start3A_108 = tpu.memref_squeeze %dma_start3A_107 : memref<1x128xi32, #tpu.memory_space<vmem>> -> memref<128xi32, #tpu.memory_space<vmem>>
      %dma_start3A_109 = arith.constant 0 : i32
      %dma_start3A_110 = arith.constant 0 : i32
      %dma_start3A_111 = tpu.memref_slice %arg2[%dma_start3A_109, %dma_start3A_110] : memref<2600000x32xf32, #tpu.memory_space<hbm>> -> memref<2600000x32xf32, #tpu.memory_space<hbm>>
      tpu.enqueue_indirect_dma source(%dma_start3A_111 : memref<2600000x32xf32, #tpu.memory_space<hbm>>) target(%dma_start3A_105 : memref<128x32xf32, #tpu.memory_space<vmem>>) offsets(%dma_start3A_108 : memref<128xi32, #tpu.memory_space<vmem>>) semaphore(%arg7 : memref<!tpu.dma_semaphore, #tpu.memory_space<semaphore_mem>>)
      %dma_wait3A = arith.constant 0 : i32
      %dma_wait3A_112 = arith.constant 0 : i32
      %dma_wait3A_113 = tpu.memref_slice %arg6[%dma_wait3A, %dma_wait3A_112] : memref<1024x32xf32, #tpu.memory_space<vmem>> -> memref<128x32xf32, #tpu.memory_space<vmem>>
      %dma_wait3A_114 = arith.constant 0 : i32
      %dma_wait3A_115 = tpu.memref_slice %arg5[%add3A_12, %dma_wait3A_114] : memref<104x128xi32, #tpu.memory_space<vmem>> -> memref<1x128xi32, #tpu.memory_space<vmem>>
      %dma_wait3A_116 = tpu.memref_squeeze %dma_wait3A_115 : memref<1x128xi32, #tpu.memory_space<vmem>> -> memref<128xi32, #tpu.memory_space<vmem>>
      %dma_wait3A_117 = arith.constant 0 : i32
      %dma_wait3A_118 = arith.constant 0 : i32
      %dma_wait3A_119 = tpu.memref_slice %arg2[%dma_wait3A_117, %dma_wait3A_118] : memref<2600000x32xf32, #tpu.memory_space<hbm>> -> memref<2600000x32xf32, #tpu.memory_space<hbm>>
      tpu.wait_indirect_dma semaphore(%arg7 : memref<!tpu.dma_semaphore, #tpu.memory_space<semaphore_mem>>) src(%dma_wait3A_119 : memref<2600000x32xf32, #tpu.memory_space<hbm>>) dst(%dma_wait3A_113 : memref<128x32xf32, #tpu.memory_space<vmem>>)
      %dma_wait3A_120 = arith.constant 128 : i32
      %dma_wait3A_121 = arith.constant 0 : i32
      %dma_wait3A_122 = tpu.memref_slice %arg6[%dma_wait3A_120, %dma_wait3A_121] : memref<1024x32xf32, #tpu.memory_space<vmem>> -> memref<128x32xf32, #tpu.memory_space<vmem>>
      %dma_wait3A_123 = arith.constant 0 : i32
      %dma_wait3A_124 = tpu.memref_slice %arg5[%add3A_24, %dma_wait3A_123] : memref<104x128xi32, #tpu.memory_space<vmem>> -> memref<1x128xi32, #tpu.memory_space<vmem>>
      %dma_wait3A_125 = tpu.memref_squeeze %dma_wait3A_124 : memref<1x128xi32, #tpu.memory_space<vmem>> -> memref<128xi32, #tpu.memory_space<vmem>>
      %dma_wait3A_126 = arith.constant 0 : i32
      %dma_wait3A_127 = arith.constant 0 : i32
      %dma_wait3A_128 = tpu.memref_slice %arg2[%dma_wait3A_126, %dma_wait3A_127] : memref<2600000x32xf32, #tpu.memory_space<hbm>> -> memref<2600000x32xf32, #tpu.memory_space<hbm>>
      tpu.wait_indirect_dma semaphore(%arg7 : memref<!tpu.dma_semaphore, #tpu.memory_space<semaphore_mem>>) src(%dma_wait3A_128 : memref<2600000x32xf32, #tpu.memory_space<hbm>>) dst(%dma_wait3A_122 : memref<128x32xf32, #tpu.memory_space<vmem>>)
      %dma_wait3A_129 = arith.constant 256 : i32
      %dma_wait3A_130 = arith.constant 0 : i32
      %dma_wait3A_131 = tpu.memref_slice %arg6[%dma_wait3A_129, %dma_wait3A_130] : memref<1024x32xf32, #tpu.memory_space<vmem>> -> memref<128x32xf32, #tpu.memory_space<vmem>>
      %dma_wait3A_132 = arith.constant 0 : i32
      %dma_wait3A_133 = tpu.memref_slice %arg5[%add3A_37, %dma_wait3A_132] : memref<104x128xi32, #tpu.memory_space<vmem>> -> memref<1x128xi32, #tpu.memory_space<vmem>>
      %dma_wait3A_134 = tpu.memref_squeeze %dma_wait3A_133 : memref<1x128xi32, #tpu.memory_space<vmem>> -> memref<128xi32, #tpu.memory_space<vmem>>
      %dma_wait3A_135 = arith.constant 0 : i32
      %dma_wait3A_136 = arith.constant 0 : i32
      %dma_wait3A_137 = tpu.memref_slice %arg2[%dma_wait3A_135, %dma_wait3A_136] : memref<2600000x32xf32, #tpu.memory_space<hbm>> -> memref<2600000x32xf32, #tpu.memory_space<hbm>>
      tpu.wait_indirect_dma semaphore(%arg7 : memref<!tpu.dma_semaphore, #tpu.memory_space<semaphore_mem>>) src(%dma_wait3A_137 : memref<2600000x32xf32, #tpu.memory_space<hbm>>) dst(%dma_wait3A_131 : memref<128x32xf32, #tpu.memory_space<vmem>>)
      %dma_wait3A_138 = arith.constant 384 : i32
      %dma_wait3A_139 = arith.constant 0 : i32
      %dma_wait3A_140 = tpu.memref_slice %arg6[%dma_wait3A_138, %dma_wait3A_139] : memref<1024x32xf32, #tpu.memory_space<vmem>> -> memref<128x32xf32, #tpu.memory_space<vmem>>
      %dma_wait3A_141 = arith.constant 0 : i32
      %dma_wait3A_142 = tpu.memref_slice %arg5[%add3A_50, %dma_wait3A_141] : memref<104x128xi32, #tpu.memory_space<vmem>> -> memref<1x128xi32, #tpu.memory_space<vmem>>
      %dma_wait3A_143 = tpu.memref_squeeze %dma_wait3A_142 : memref<1x128xi32, #tpu.memory_space<vmem>> -> memref<128xi32, #tpu.memory_space<vmem>>
      %dma_wait3A_144 = arith.constant 0 : i32
      %dma_wait3A_145 = arith.constant 0 : i32
      %dma_wait3A_146 = tpu.memref_slice %arg2[%dma_wait3A_144, %dma_wait3A_145] : memref<2600000x32xf32, #tpu.memory_space<hbm>> -> memref<2600000x32xf32, #tpu.memory_space<hbm>>
      tpu.wait_indirect_dma semaphore(%arg7 : memref<!tpu.dma_semaphore, #tpu.memory_space<semaphore_mem>>) src(%dma_wait3A_146 : memref<2600000x32xf32, #tpu.memory_space<hbm>>) dst(%dma_wait3A_140 : memref<128x32xf32, #tpu.memory_space<vmem>>)
      %dma_wait3A_147 = arith.constant 512 : i32
      %dma_wait3A_148 = arith.constant 0 : i32
      %dma_wait3A_149 = tpu.memref_slice %arg6[%dma_wait3A_147, %dma_wait3A_148] : memref<1024x32xf32, #tpu.memory_space<vmem>> -> memref<128x32xf32, #tpu.memory_space<vmem>>
      %dma_wait3A_150 = arith.constant 0 : i32
      %dma_wait3A_151 = tpu.memref_slice %arg5[%add3A_63, %dma_wait3A_150] : memref<104x128xi32, #tpu.memory_space<vmem>> -> memref<1x128xi32, #tpu.memory_space<vmem>>
      %dma_wait3A_152 = tpu.memref_squeeze %dma_wait3A_151 : memref<1x128xi32, #tpu.memory_space<vmem>> -> memref<128xi32, #tpu.memory_space<vmem>>
      %dma_wait3A_153 = arith.constant 0 : i32
      %dma_wait3A_154 = arith.constant 0 : i32
      %dma_wait3A_155 = tpu.memref_slice %arg2[%dma_wait3A_153, %dma_wait3A_154] : memref<2600000x32xf32, #tpu.memory_space<hbm>> -> memref<2600000x32xf32, #tpu.memory_space<hbm>>
      tpu.wait_indirect_dma semaphore(%arg7 : memref<!tpu.dma_semaphore, #tpu.memory_space<semaphore_mem>>) src(%dma_wait3A_155 : memref<2600000x32xf32, #tpu.memory_space<hbm>>) dst(%dma_wait3A_149 : memref<128x32xf32, #tpu.memory_space<vmem>>)
      %dma_wait3A_156 = arith.constant 640 : i32
      %dma_wait3A_157 = arith.constant 0 : i32
      %dma_wait3A_158 = tpu.memref_slice %arg6[%dma_wait3A_156, %dma_wait3A_157] : memref<1024x32xf32, #tpu.memory_space<vmem>> -> memref<128x32xf32, #tpu.memory_space<vmem>>
      %dma_wait3A_159 = arith.constant 0 : i32
      %dma_wait3A_160 = tpu.memref_slice %arg5[%add3A_76, %dma_wait3A_159] : memref<104x128xi32, #tpu.memory_space<vmem>> -> memref<1x128xi32, #tpu.memory_space<vmem>>
      %dma_wait3A_161 = tpu.memref_squeeze %dma_wait3A_160 : memref<1x128xi32, #tpu.memory_space<vmem>> -> memref<128xi32, #tpu.memory_space<vmem>>
      %dma_wait3A_162 = arith.constant 0 : i32
      %dma_wait3A_163 = arith.constant 0 : i32
      %dma_wait3A_164 = tpu.memref_slice %arg2[%dma_wait3A_162, %dma_wait3A_163] : memref<2600000x32xf32, #tpu.memory_space<hbm>> -> memref<2600000x32xf32, #tpu.memory_space<hbm>>
      tpu.wait_indirect_dma semaphore(%arg7 : memref<!tpu.dma_semaphore, #tpu.memory_space<semaphore_mem>>) src(%dma_wait3A_164 : memref<2600000x32xf32, #tpu.memory_space<hbm>>) dst(%dma_wait3A_158 : memref<128x32xf32, #tpu.memory_space<vmem>>)
      %dma_wait3A_165 = arith.constant 768 : i32
      %dma_wait3A_166 = arith.constant 0 : i32
      %dma_wait3A_167 = tpu.memref_slice %arg6[%dma_wait3A_165, %dma_wait3A_166] : memref<1024x32xf32, #tpu.memory_space<vmem>> -> memref<128x32xf32, #tpu.memory_space<vmem>>
      %dma_wait3A_168 = arith.constant 0 : i32
      %dma_wait3A_169 = tpu.memref_slice %arg5[%add3A_89, %dma_wait3A_168] : memref<104x128xi32, #tpu.memory_space<vmem>> -> memref<1x128xi32, #tpu.memory_space<vmem>>
      %dma_wait3A_170 = tpu.memref_squeeze %dma_wait3A_169 : memref<1x128xi32, #tpu.memory_space<vmem>> -> memref<128xi32, #tpu.memory_space<vmem>>
      %dma_wait3A_171 = arith.constant 0 : i32
      %dma_wait3A_172 = arith.constant 0 : i32
      %dma_wait3A_173 = tpu.memref_slice %arg2[%dma_wait3A_171, %dma_wait3A_172] : memref<2600000x32xf32, #tpu.memory_space<hbm>> -> memref<2600000x32xf32, #tpu.memory_space<hbm>>
      tpu.wait_indirect_dma semaphore(%arg7 : memref<!tpu.dma_semaphore, #tpu.memory_space<semaphore_mem>>) src(%dma_wait3A_173 : memref<2600000x32xf32, #tpu.memory_space<hbm>>) dst(%dma_wait3A_167 : memref<128x32xf32, #tpu.memory_space<vmem>>)
      %dma_wait3A_174 = arith.constant 896 : i32
      %dma_wait3A_175 = arith.constant 0 : i32
      %dma_wait3A_176 = tpu.memref_slice %arg6[%dma_wait3A_174, %dma_wait3A_175] : memref<1024x32xf32, #tpu.memory_space<vmem>> -> memref<128x32xf32, #tpu.memory_space<vmem>>
      %dma_wait3A_177 = arith.constant 0 : i32
      %dma_wait3A_178 = tpu.memref_slice %arg5[%add3A_102, %dma_wait3A_177] : memref<104x128xi32, #tpu.memory_space<vmem>> -> memref<1x128xi32, #tpu.memory_space<vmem>>
      %dma_wait3A_179 = tpu.memref_squeeze %dma_wait3A_178 : memref<1x128xi32, #tpu.memory_space<vmem>> -> memref<128xi32, #tpu.memory_space<vmem>>
      %dma_wait3A_180 = arith.constant 0 : i32
      %dma_wait3A_181 = arith.constant 0 : i32
      %dma_wait3A_182 = tpu.memref_slice %arg2[%dma_wait3A_180, %dma_wait3A_181] : memref<2600000x32xf32, #tpu.memory_space<hbm>> -> memref<2600000x32xf32, #tpu.memory_space<hbm>>
      tpu.wait_indirect_dma semaphore(%arg7 : memref<!tpu.dma_semaphore, #tpu.memory_space<semaphore_mem>>) src(%dma_wait3A_182 : memref<2600000x32xf32, #tpu.memory_space<hbm>>) dst(%dma_wait3A_176 : memref<128x32xf32, #tpu.memory_space<vmem>>)
      %mul3A_183 = arith.constant 1024 : i32
      %mul3A_184 = arith.muli %scan3A_8, %mul3A_183 : i32
      %add3A_185 = arith.addi %mul3A_2, %mul3A_184 : i32
      "tpu.region"() ({
        %run_scoped3A = tpu.sem_alloc : memref<!tpu.dma_semaphore, #tpu.memory_space<semaphore_mem>>
        %dma_start3A_186 = arith.constant 0 : i32
        %dma_start3A_187 = tpu.memref_slice %arg4[%add3A_185, %dma_start3A_186] : memref<425984x32xf32, #tpu.memory_space<hbm>> -> memref<1024x32xf32, #tpu.memory_space<hbm>>
        %dma_start3A_188 = arith.constant 0 : i32
        %dma_start3A_189 = tpu.memref_slice %arg4[%add3A_185, %dma_start3A_188] : memref<425984x32xf32, #tpu.memory_space<hbm>> -> memref<1024x32xf32, #tpu.memory_space<hbm>>
        tpu.enqueue_dma source(%arg6 : memref<1024x32xf32, #tpu.memory_space<vmem>>) target(%dma_start3A_189 : memref<1024x32xf32, #tpu.memory_space<hbm>>) target_semaphore(%run_scoped3A : memref<!tpu.dma_semaphore, #tpu.memory_space<semaphore_mem>>)
        %dma_wait3A_190 = arith.constant 0 : i32
        %dma_wait3A_191 = tpu.memref_slice %arg4[%add3A_185, %dma_wait3A_190] : memref<425984x32xf32, #tpu.memory_space<hbm>> -> memref<1024x32xf32, #tpu.memory_space<hbm>>
        %dma_wait3A_192 = arith.constant 0 : i32
        %dma_wait3A_193 = tpu.memref_slice %arg4[%add3A_185, %dma_wait3A_192] : memref<425984x32xf32, #tpu.memory_space<hbm>> -> memref<1024x32xf32, #tpu.memory_space<hbm>>
        tpu.wait_dma2 semaphore(%run_scoped3A : memref<!tpu.dma_semaphore, #tpu.memory_space<semaphore_mem>>) src(%arg6 : memref<1024x32xf32, #tpu.memory_space<vmem>>) dst(%dma_wait3A_193 : memref<1024x32xf32, #tpu.memory_space<hbm>>)
        tpu.yield
      }) : () -> ()
    }
    %scan3A_7 = arith.constant 13 : i32
    return
  }
}

module attributes {stable_mosaic.version = 14 : i64} {
  func.func @_mm_body(%arg0: i32, %arg1: memref<1024x832xf32, #tpu.memory_space<vmem>>, %arg2: memref<832x128xf32, #tpu.memory_space<vmem>>, %arg3: memref<1x128xf32, #tpu.memory_space<vmem>>, %arg4: memref<1024x128xf32, #tpu.memory_space<vmem>>) attributes {dimension_semantics = [#tpu.dimension_semantics<arbitrary>], iteration_bounds = array<i64: 16>, scalar_prefetch = 0 : i64, scratch_operands = 0 : i64, tpu.core_type = #tpu.core_type<tc>, window_params = [{transform_indices = @transform_0, window_bounds = array<i64: 1024, 832>}, {pipeline_mode = #tpu.pipeline_mode<synchronous>, transform_indices = @transform_1, window_bounds = array<i64: 832, 128>}, {pipeline_mode = #tpu.pipeline_mode<synchronous>, transform_indices = @transform_2, window_bounds = array<i64: 1, 128>}, {transform_indices = @transform_3, window_bounds = array<i64: 1024, 128>}]} {
    %get3A = arith.constant 0 : index
    %get3A_0 = arith.constant 0 : index
    %get3A_1 = vector.load %arg1[%get3A, %get3A_0] : memref<1024x832xf32, #tpu.memory_space<vmem>>, vector<1024x832xf32>
    %get3A_2 = arith.constant 0 : index
    %get3A_3 = arith.constant 0 : index
    %get3A_4 = vector.load %arg2[%get3A_2, %get3A_3] : memref<832x128xf32, #tpu.memory_space<vmem>>, vector<832x128xf32>
    %dot_general3A = arith.constant dense<0.000000e+00> : vector<1024x128xf32>
    %dot_general3A_5 = tpu.matmul %get3A_1, %get3A_4, %dot_general3A {dimension_numbers = #tpu.dot_dimension_numbers<[1], [0], [0], [1], [0, 0, 1, 1], [], []>, transpose_lhs_hint = false} : vector<1024x832xf32>, vector<832x128xf32>, vector<1024x128xf32> -> vector<1024x128xf32>
    %get3A_6 = arith.constant 0 : index
    %get3A_7 = arith.constant 0 : index
    %get3A_8 = vector.load %arg3[%get3A_6, %get3A_7] : memref<1x128xf32, #tpu.memory_space<vmem>>, vector<1x128xf32>
    %add3A = vector.broadcast %get3A_8 : vector<1x128xf32> to vector<1024x128xf32>
    %add3A_9 = arith.addf %dot_general3A_5, %add3A : vector<1024x128xf32>
    %tanh3A = math.tanh %add3A_9 : vector<1024x128xf32>
    %swap3A = arith.constant 0 : index
    %swap3A_10 = arith.constant 0 : index
    %swap3A_11 = vector.load %arg4[%swap3A, %swap3A_10] : memref<1024x128xf32, #tpu.memory_space<vmem>>, vector<1024x128xf32>
    tpu.vector_store %arg4[%swap3A, %swap3A_10], %tanh3A {strides = array<i32>} : memref<1024x128xf32, #tpu.memory_space<vmem>>, vector<1024x128xf32>,
    return
  }
  func.func @transform_0(%arg0: i32) -> (i32, i32) {
    %c0_i32 = arith.constant 0 : i32
    %c0_i32_0 = arith.constant 0 : i32
    return %arg0, %c0_i32 : i32, i32
  }
  func.func @transform_1(%arg0: i32) -> (i32, i32) {
    %c0_i32 = arith.constant 0 : i32
    %c0_i32_0 = arith.constant 0 : i32
    %c0_i32_1 = arith.constant 0 : i32
    return %c0_i32, %c0_i32_0 : i32, i32
  }
  func.func @transform_2(%arg0: i32) -> (i32, i32) {
    %c0_i32 = arith.constant 0 : i32
    %c0_i32_0 = arith.constant 0 : i32
    %c0_i32_1 = arith.constant 0 : i32
    return %c0_i32, %c0_i32_0 : i32, i32
  }
  func.func @transform_3(%arg0: i32) -> (i32, i32) {
    %c0_i32 = arith.constant 0 : i32
    %c0_i32_0 = arith.constant 0 : i32
    return %arg0, %c0_i32 : i32, i32
  }
}

</mosaic_0001>

<sc_bundles>
// kernel: kernel.4.cloned.1.call-start
scs
__scs_entry_jumppad:
0x0: {  	(pc) =	sbr.rel $0x88, $3  }
0x1: {  	(tag) =	ssettag $0x0;
	lr =	simm.s32 $0x1  }
0x2: {  	[smem:$0x3F9D] =	sst lr;
	_ =	strace $0xD0000000  }
0x3: {  	_ = 	snop  }
0x4: {  	_ = 	snop  }
0x5: {  	_ = 	snop  }
0x6: {  	_ = 	snop  }
0x7: {  	_ = 	snop  }
__scs_overlays_trampoline_lowered:
0x8: {  	[smem:$0x3FAC] =	sst s0  }
0x9: {  	[smem:$0x3FAD] =	sst s1  }
0xa: {  	[smem:$0x3FAE] =	sst s2  }
0xb: {  	[smem:$0x3FAF] =	sst s3  }
0xc: {  	[smem:$0x3FB0] =	sst s4  }
0xd: {  	[smem:$0x3FB1] =	sst s5  }
0xe: {  	[smem:$0x3FB2] =	sst s6  }
0xf: {  	[smem:$0x3FB3] =	sst s7  }
0x10: {  	[smem:$0x3FB4] =	sst s8  }
0x11: {  	[smem:$0x3FB5] =	sst s9;
	s0 =	simm.s32 @!p0 $0x0  }
0x12: {  	s1 =	sld [smem:$0x3F9B];
	s0 =	simm.s32 @p0 $0x1  }
0x13: {  	[smem:$0x3FB6] =	sst s0;
	s0 =	simm.s32 @!p1 $0x0  }
0x14: {  	s2 =	sld [smem:$0x3F9A];
	s0 =	simm.s32 @p1 $0x1  }
0x15: {  	[smem:$0x3FB7] =	sst s0;
	s0 =	simm.s32 @!p2 $0x0  }
0x16: {  	s3 =	sld [smem:$0x3FDB];
	s0 =	simm.s32 @p2 $0x1  }
0x17: {  	s4 =	simm.s32 $0x1BF5;
	[smem:$0x3FB9] =	sst s0  }
0x18: {  	s0 =	sld [smem:$0x3F9C];
	_ =	swait.ge [sflag:s4], $0x0  }
0x19: {  	s7 =	sld [smem:$0x3F9D]  }
0x1a: {  	s8 =	sadd.s32 $0xFFFFE003, lr  }
0x1b: {  	s9 =	sadd.s32 $0xFFFFFEF7, lr;
	s5 =	simm.s32 $0xFFFFFFFF;
	p2 =	slt.u32 s8, $0xFFFFF086  }
0x1c: {  	p1 =	slt.u32 s9, $0xF7A;
	s5 =	simm.s32 @!p2 $0x0  }
0x1d: {  	s5 =	simm.s32 @p1 $0x1;
	p0 =	seq.s32 s7, s2  }
0x1e: {  	s7 =	smul.u32 @!p0 $0xF7A, s2;
	p2 =	seq.s32 @!p0 s5, $0x0  }
0x1f: {  	s9 =	smul.u32 $0xF7A, s1;
	s8 =	simm.s32 @!p0 $0x1BF5;
	p2 =	por !p2, p0  }
0x20: {  	[sflag:s8] =	ssyncset.s32 @!p0 $0xFFFFF086;
	s6 =	sadd.s32 @!p0 s3, s7;
	s7 =	simm.s32 @!p0 $0x108  }
0x21: {  	s3 =	sadd.s32 s3, s9;
	s6 =	sadd.s32 @!p0 $0x88, s6;
	s7 =	simm.s32 @p2 $0x1082  }
0x22: {  	[simem:s7], [sflag:s8] =	dma.local @!p0 [hbm:s6], $0xF7A  }
0x23: {  	s9 =	sor.u32 $0xD0000000, s2;
	s6 =	simm.s32 $0x108;
	_ =	swait.ge @!p0 [sflag:s8], $0x0  }
0x24: {  	s3 =	sadd.s32 $0x88, s3;
	s6 =	simm.s32 @!p1 $0x1082;
	[sflag:s4] =	ssyncset.s32 $0xFFFFF086  }
0x25: {  	[simem:s6], [sflag:s4] =	dma.local [hbm:s3], $0xF7A  }
0x26: {  	[smem:$0x3F9D] =	sst s1;
	(tag) =	ssettag s2;
	_ =	strace s9  }
0x27: {  	s1 =	sld [smem:$0x3FAD]  }
0x28: {  	s2 =	sld [smem:$0x3FAE]  }
0x29: {  	s4 =	sld [smem:$0x3FB0]  }
0x2a: {  	p0 =	seq.s32 s5, $0x0;
	s5 =	sld [smem:$0x3FB1]  }
0x2b: {  	s6 =	sld [smem:$0x3FB2]  }
0x2c: {  	s7 =	sld [smem:$0x3FB3]  }
0x2d: {  	s3 =	simm.s32 $0x108;
	s8 =	sld [smem:$0x3FB4]  }
0x2e: {  	s3 =	simm.s32 @!p0 $0x1082;
	s9 =	sld [smem:$0x3FB5]  }
0x2f: {  	lr =	sadd.s32 s0, s3;
	s0 =	sld [smem:$0x3FAC]  }
0x30: {  	s3 =	sld [smem:$0x3FAF]  }
0x31: {  	[smem:$0x3FB8] =	sst s10  }
0x32: {  	s10 =	sld [smem:$0x3FB6];
	_ =	sdelay $0x3  }
0x33: {  	p0 =	seq.s32 s10, $0x1;
	s10 =	sld [smem:$0x3FB8];
	_ =	sdelay $0x3  }
0x34: {  	[smem:$0x3FB8] =	sst s10  }
0x35: {  	s10 =	sld [smem:$0x3FB7];
	_ =	sdelay $0x3  }
0x36: {  	p1 =	seq.s32 s10, $0x1;
	s10 =	sld [smem:$0x3FB8];
	_ =	sdelay $0x3  }
0x37: {  	[smem:$0x3FB8] =	sst s10  }
0x38: {  	s10 =	sld [smem:$0x3FB9]  }
0x39: {  	_ = 	snop;
	(pc) =	sbr.ind lr, $3  }
0x3a: {  	_ = 	snop  }
0x3b: {  	_ = 	snop  }
0x3c: {  	p2 =	seq.s32 s10, $0x1;
	s10 =	sld [smem:$0x3FB8]  }
0x3d: {  	_ =	shalt  }
0x3e: {  	_ =	shalt  }
0x3f: {  	_ =	shalt  }
0x40: {  	_ =	shalt  }
0x41: {  	_ =	shalt  }
0x42: {  	_ =	shalt  }
0x43: {  	_ =	shalt  }
0x44: {  	_ =	shalt  }
0x45: {  	_ =	shalt  }
0x46: {  	_ =	shalt  }
0x47: {  	_ =	shalt  }
0x48: {  	_ =	shalt  }
0x49: {  	_ =	shalt  }
0x4a: {  	_ =	shalt  }
0x4b: {  	_ =	shalt  }
0x4c: {  	_ =	shalt  }
0x4d: {  	_ =	shalt  }
0x4e: {  	_ =	shalt  }
0x4f: {  	_ =	shalt  }
0x50: {  	_ =	shalt  }
0x51: {  	_ =	shalt  }
0x52: {  	_ =	shalt  }
0x53: {  	_ =	shalt  }
0x54: {  	_ =	shalt  }
0x55: {  	_ =	shalt  }
0x56: {  	_ =	shalt  }
0x57: {  	_ =	shalt  }
0x58: {  	_ =	shalt  }
0x59: {  	_ =	shalt  }
0x5a: {  	_ =	shalt  }
0x5b: {  	_ =	shalt  }
0x5c: {  	_ =	shalt  }
0x5d: {  	_ =	shalt  }
0x5e: {  	_ =	shalt  }
0x5f: {  	_ =	shalt  }
0x60: {  	_ =	shalt  }
0x61: {  	_ =	shalt  }
0x62: {  	_ =	shalt  }
0x63: {  	_ =	shalt  }
0x64: {  	_ =	shalt  }
0x65: {  	_ =	shalt  }
0x66: {  	_ =	shalt  }
0x67: {  	_ =	shalt  }
0x68: {  	_ =	shalt  }
0x69: {  	_ =	shalt  }
0x6a: {  	_ =	shalt  }
0x6b: {  	_ =	shalt  }
0x6c: {  	_ =	shalt  }
0x6d: {  	_ =	shalt  }
0x6e: {  	_ =	shalt  }
0x6f: {  	_ =	shalt  }
0x70: {  	_ =	shalt  }
0x71: {  	_ =	shalt  }
0x72: {  	_ =	shalt  }
0x73: {  	_ =	shalt  }
0x74: {  	_ =	shalt  }
0x75: {  	_ =	shalt  }
0x76: {  	_ =	shalt  }
0x77: {  	_ =	shalt  }
0x78: {  	_ =	shalt  }
0x79: {  	_ =	shalt  }
0x7a: {  	_ =	shalt  }
0x7b: {  	_ =	shalt  }
0x7c: {  	_ =	shalt  }
0x7d: {  	_ =	shalt  }
0x7e: {  	_ =	shalt  }
0x7f: {  	_ =	shalt  }
0x80: {  	_ =	shalt  }
0x81: {  	_ =	shalt  }
0x82: {  	_ =	shalt  }
0x83: {  	_ =	shalt  }
0x84: {  	_ =	shalt  }
0x85: {  	_ =	shalt  }
0x86: {  	_ =	shalt  }
0x87: {  	_ =	shalt  }
.Lfunc_end0:
.L_simem_size_0:
called_computation_lowered:
.L_overlay_start_0:
0x88: {  	s2 =	sld [smem:$0x3FD9]  }
0x89: {  	s3 =	sld [smem:$0x3FFE];
	_ =	sdelay $0x1  }
0x8a: {  	s1 =	srdreg.scid  }
0x8b: {  	s0 =	sand.u32 $0x1, s1  }
0x8c: {  	s17 =	sshll.u32 s0, $0xA;
	s2 =	sadd.s32 s3, s2  }
0x8d: {  	s2 =	sadd.s32 s2, s17  }
0x8e: {  	[smem:$0x3FC4] =	sst s2  }
0x8f: {  	_ = 	snop  }
0x90: {  	s2 =	sld [smem:$0x3FD0];
	(tm) =	ssettm $0x1  }
0x91: {  	s18 =	sld [smem:$0x3FFB];
	_ =	sdelay $0x3  }
0x92: {  	_ =	strace s18  }
0x93: {  	s3 =	sld [smem:$0x3FFC];
	_ =	sdelay $0x3  }
0x94: {  	_ =	strace s3  }
0x95: {  	s3 =	sld [smem:$0x3FFD];
	_ =	sdelay $0x3  }
0x96: {  	_ =	strace s3  }
0x97: {  	_ =	strace $0x8FFFFFFF  }
0x98: {  	s19 =	sld [smem:$0x3FDB];
	_ =	sdelay $0x1  }
0x99: {  	s4 =	simm.s32 $_scs_section_size  }
0x9a: {  	s5 =	simm.s32 $_size__tile_overlayer_lowered;
	s6 =	simm.s32 $_tile_overlayer_lowered  }
0x9b: {  	s22 =	simm.s32 $0x1BFF;
	s21 =	sshll.u32 s6, $0x1;
	s3 =	sadd.s32 s4, s19  }
0x9c: {  	s7 =	simm.s32 $0x0;
	s20 =	sshll.u32 s5, $0x1;
	s5 =	sadd.s32 s21, s3  }
0x9d: {  	[timem:s7], [sflag:s22] =	dma.local [hbm:s5], s20  }
0x9e: {  	_ =	swait.ge [sflag:s22], s20  }
0x9f: {  	s4 =	ssub.s32 $0x0, s20;
	[sflag:s22] =	ssyncset.done $0x0  }
0xa0: {  	[sflag:s22] =	ssyncadd.s32 s4;
	_ =	sdelay $0x1  }
0xa1: {  	s23 =	simm.s32 $0x1B8B  }
0xa2: {  	_ =	swait.ge [sflag:s23], $0x1  }
0xa3: {  	[sflag:s23] =	ssyncset.done $0x0  }
0xa4: {  	s25 =	simm.s32 $0x1B8E;
	s24 =	sld [smem:$0x3FFE];
	[sflag:s23] =	ssyncadd.s32 $0xFFFFFFFF  }
0xa5: {  	s26 =	simm.s32 $execute0_lowered;
	[smem:$0x3FD2] =	sst s25  }
0xa6: {  	s5 =	sshll.u32 s26, $0x1;
	_ =	strace $0x80000046;
	[dreg:$0x1] =	wrdreg $0xFFFFFFFF  }
0xa7: {  	s28 =	simm.s32 $_size_execute0_lowered;
	s3 =	sadd.s32 s3, s5;
	[dreg:$0x0] =	wrdreg $0x0  }
0xa8: {  	s5 =	sshll.u32 s28, $0x1;
	[dreg:$0x2] =	wrdreg s3  }
0xa9: {  	[dreg:$0x3] =	wrdreg s5  }
0xaa: {  	[dreg:$0x4] =	wrdreg $0xC0  }
0xab: {  	_ =	task [dreg:s7], $0x5FFFF  }
0xac: {  	[dreg:$0x1] =	wrdreg $0xFFFFFFFF  }
0xad: {  	[dreg:$0x0] =	wrdreg $0x60  }
0xae: {  	[dreg:$0x2] =	wrdreg s24  }
0xaf: {  	[dreg:$0x3] =	wrdreg s2  }
0xb0: {  	[dreg:$0x4] =	wrdreg $0x9  }
0xb1: {  	_ =	task.clear_ibuf [dreg:s7], $0x5FFFF;
	_ =	strace $0x90000046  }
0xb2: {  	s29 =	simm.s32 $0x9;
	_ =	strace $0x80000048  }
0xb3: {  	_ =	swait.ge [sflag:s29], $0x1  }
0xb4: {  	[sflag:s29] =	ssyncadd.s32 $0xFFFFFFFF  }
0xb5: {  	_ =	strace $0x90000048  }
0xb6: {  	_ =	sfence  }
0xb7: {  	s30 =	sld [smem:$0x0];
	_ =	sdelay $0x2  }
0xb8: {  	s31 =	sshll.u32 s1, $0xD;
	s1 =	sshrl.u32 s1, $0x2  }
0xb9: {  	s3 =	sand.u32 $0x4000, s31;
	s1 =	sadd.s32 s1, s30  }
0xba: {  	s0 =	sor.u32 s3, s0;
	s1 =	sshll.u32 s1, $0x11  }
0xbb: {  	s0 =	sor.u32 s1, s0  }
0xbc: {  	s0 =	sadd.s32 $0x8F2B, s0  }
0xbd: {  	[sflag:s0] =	ssyncadd.remote.s32 $0x1  }
0xbe: {  	_ =	sfence.sel $0xFFFF  }
0xbf: {  	[dreg:$0x0] =	wrdreg $0xFFFFFFFF;
	(pc) =	sbr.abs _section_cstart, $3  }
0xc0: {  	[dreg:$0x1] =	wrdreg $0xFFFFFFFF  }
0xc1: {  	_ =	task.clear_ibuf [dreg:s7], $0x2FFFF;
	_ =	strace $0x9FFFFFFF  }
0xc2: {  	(tm) =	ssettm $0x7FFFFFFF  }
0xc3: {  	_ =	shalt  }
tec
execute0_lowered:
.L_overlay_start_1:
0x0: {  	(tag) =	ssettag $0x1  }
0x1: {  	s4 =	rddreg [dreg:$0x0]  }
0x2: {  	s5 =	rddreg [dreg:$0x1]  }
0x3: {  	s0 =	rddreg [dreg:$0x2]  }
0x4: {  	s3 =	srdreg.scid;
	s1 =	stileid.u32;
	s2 =	simm.s32 $0x0  }
0x5: {  	s10 =	simm.s32 $0x4400;
	s11 =	simm.s32 $0x5400;
	s12 =	simm.s32 $0x6400  }
0x6: {  	s13 =	simm.s32 $0x7400;
	s14 =	simm.s32 $0x8400;
	s15 =	simm.s32 $0x9400  }
0x7: {  	s16 =	simm.s32 $0xA400;
	s17 =	simm.s32 $0x1;
	s18 =	simm.s32 $0x0  }
0x8: {  	s3 =	sand.u32 $0x1, s3;
	s6 =	smul.u32 $0xD0000, s1;
	[smem:$0x7FF] =	sst s2  }
0x9: {  	s8 =	sshll.u32 s1, $0x1;
	s7 =	smul.u32 $0x68000, s3;
	_ =	strace $0x80000047  }
0xa: {  	s30 =	ssub.s32 $0x2, s3;
	s3 =	sor.u32 s3, s8;
	s8 =	simm.s32 $0x80  }
0xb: {  	s31 =	sshrl.u32 s30, $0x1;
	s9 =	smul.u32 $0x680, s3;
	s6 =	sadd.s32 s7, s6  }
0xc: {  	s3 =	sadd.s32 $0x27AD000, s4;
	s7 =	ssub.s32 s30, s31;
	s6 =	sshrl.u32 s6, $0x3  }
0xd: {  	s6 =	sadd.s32 s6, s4;
	s4 =	sadd.s32 s5, s9;
	s5 =	smax.u32 s7, $0x1  }
0xe: {  	s7 =	simm.s32 $0x2;
	s9 =	simm.s32 $0x3400;
	s6 =	sadd.s32 $0xC00, s6  }
.LBB2_1:
0xf: {  	[tilespmem:s2], [sflag:$0x2] =	stream.linear.gather [hbm4b:s4+s2], $0x3400, $0x38;
	[tilespmem:$0xB400] =	vst v63  }
0x10: {  	_ =	swait.ge [sflag:s7], $0x3400  }
0x11: {  	[sflag:s7] =	ssyncset.done $0x0  }
0x12: {  	s19 =	simm.s32 $0x0;
	[sflag:s7] =	ssyncadd.s32 $0xFFFFCC00  }
0x13: {  	[tilespmem:s9], [sflag:$0x1] =	stream.indirect.gather [hbm4b:s3+s8], $0x20, s19, s8, $0xb8;
	[tilespmem:$0xB400] =	vst v63  }
0x14: {  	s23 =	simm.s32 $0x80  }
0x15: {  	[tilespmem:s10], [sflag:$0x1] =	stream.indirect.gather [hbm4b:s3+s8], $0x20, s23, s8, $0xb8;
	[tilespmem:$0xB400] =	vst v63  }
0x16: {  	s24 =	simm.s32 $0x100  }
0x17: {  	[tilespmem:s11], [sflag:$0x1] =	stream.indirect.gather [hbm4b:s3+s8], $0x20, s24, s8, $0xb8;
	[tilespmem:$0xB400] =	vst v63  }
0x18: {  	s25 =	simm.s32 $0x180  }
0x19: {  	[tilespmem:s12], [sflag:$0x1] =	stream.indirect.gather [hbm4b:s3+s8], $0x20, s25, s8, $0xb8;
	[tilespmem:$0xB400] =	vst v63  }
0x1a: {  	s26 =	simm.s32 $0x200  }
0x1b: {  	[tilespmem:s13], [sflag:$0x1] =	stream.indirect.gather [hbm4b:s3+s8], $0x20, s26, s8, $0xb8;
	[tilespmem:$0xB400] =	vst v63  }
0x1c: {  	s28 =	simm.s32 $0x280  }
0x1d: {  	[tilespmem:s14], [sflag:$0x1] =	stream.indirect.gather [hbm4b:s3+s8], $0x20, s28, s8, $0xb8;
	[tilespmem:$0xB400] =	vst v63  }
0x1e: {  	s29 =	simm.s32 $0x300  }
0x1f: {  	[tilespmem:s15], [sflag:$0x1] =	stream.indirect.gather [hbm4b:s3+s8], $0x20, s29, s8, $0xb8;
	[tilespmem:$0xB400] =	vst v63  }
0x20: {  	s30 =	simm.s32 $0x380  }
0x21: {  	[tilespmem:s16], [sflag:$0x1] =	stream.indirect.gather [hbm4b:s3+s8], $0x20, s30, s8, $0xb8;
	[tilespmem:$0xB400] =	vst v63  }
0x22: {  	_ =	swait.ge [sflag:s17], $0x1000  }
0x23: {  	[sflag:s17] =	ssyncset.done $0x0  }
0x24: {  	[sflag:s17] =	ssyncadd.s32 $0xFFFFF000  }
0x25: {  	_ =	swait.ge [sflag:s17], $0x1000  }
0x26: {  	[sflag:s17] =	ssyncset.done $0x0  }
0x27: {  	[sflag:s17] =	ssyncadd.s32 $0xFFFFF000  }
0x28: {  	_ =	swait.ge [sflag:s17], $0x1000  }
0x29: {  	[sflag:s17] =	ssyncset.done $0x0  }
0x2a: {  	[sflag:s17] =	ssyncadd.s32 $0xFFFFF000  }
0x2b: {  	_ =	swait.ge [sflag:s17], $0x1000  }
0x2c: {  	[sflag:s17] =	ssyncset.done $0x0  }
0x2d: {  	[sflag:s17] =	ssyncadd.s32 $0xFFFFF000  }
0x2e: {  	_ =	swait.ge [sflag:s17], $0x1000  }
0x2f: {  	[sflag:s17] =	ssyncset.done $0x0  }
0x30: {  	[sflag:s17] =	ssyncadd.s32 $0xFFFFF000  }
0x31: {  	_ =	swait.ge [sflag:s17], $0x1000  }
0x32: {  	[sflag:s17] =	ssyncset.done $0x0  }
0x33: {  	[sflag:s17] =	ssyncadd.s32 $0xFFFFF000  }
0x34: {  	_ =	swait.ge [sflag:s17], $0x1000  }
0x35: {  	[sflag:s17] =	ssyncset.done $0x0  }
0x36: {  	[sflag:s17] =	ssyncadd.s32 $0xFFFFF000  }
0x37: {  	_ =	swait.ge [sflag:s17], $0x1000  }
0x38: {  	[sflag:s17] =	ssyncset.done $0x0  }
0x39: {  	s31 =	sadd.s32 $0x0, s6;
	[sflag:s17] =	ssyncadd.s32 $0xFFFFF000  }
0x3a: {  	[hbm4b:s31+s2] =	stream.linear.scatter [tilespmem:s9], [sflag:$0x2], $0x8000, $0x38;
	[tilespmem:$0xB400] =	vst v63  }
0x3b: {  	_ =	swait.ge [sflag:s7], $0x8000  }
0x3c: {  	s22 =	simm.s32 $0x2000;
	s19 =	simm.s32 $0x1000;
	[sflag:s7] =	ssyncset.done $0x0  }
.LBB2_2:
0x3d: {  	s23 =	sshra.s32 s19, $0x2  }
0x3e: {  	[sflag:s7] =	ssyncadd.s32 $0xFFFF8000;
	s21 =	smov.u32 s22;
	s20 =	sadd.s32 $0x1000, s22  }
0x3f: {  	[tilespmem:s9], [sflag:$0x1] =	stream.indirect.gather [hbm4b:s3+s8], $0x20, s23, s8, $0xb8;
	[tilespmem:$0xB400] =	vst v63  }
0x40: {  	p0 =	sne.s32 s22, $0xC000;
	s22 =	sadd.s32 $0x80, s23  }
0x41: {  	[tilespmem:s10], [sflag:$0x1] =	stream.indirect.gather [hbm4b:s3+s8], $0x20, s22, s8, $0xb8;
	[tilespmem:$0xB400] =	vst v63  }
0x42: {  	s22 =	sadd.s32 $0x100, s23  }
0x43: {  	[tilespmem:s11], [sflag:$0x1] =	stream.indirect.gather [hbm4b:s3+s8], $0x20, s22, s8, $0xb8;
	[tilespmem:$0xB400] =	vst v63  }
0x44: {  	s22 =	sadd.s32 $0x180, s23  }
0x45: {  	[tilespmem:s12], [sflag:$0x1] =	stream.indirect.gather [hbm4b:s3+s8], $0x20, s22, s8, $0xb8;
	[tilespmem:$0xB400] =	vst v63  }
0x46: {  	s22 =	sadd.s32 $0x200, s23  }
0x47: {  	[tilespmem:s13], [sflag:$0x1] =	stream.indirect.gather [hbm4b:s3+s8], $0x20, s22, s8, $0xb8;
	[tilespmem:$0xB400] =	vst v63  }
0x48: {  	s22 =	sadd.s32 $0x280, s23  }
0x49: {  	[tilespmem:s14], [sflag:$0x1] =	stream.indirect.gather [hbm4b:s3+s8], $0x20, s22, s8, $0xb8;
	[tilespmem:$0xB400] =	vst v63  }
0x4a: {  	s22 =	sadd.s32 $0x300, s23  }
0x4b: {  	[tilespmem:s15], [sflag:$0x1] =	stream.indirect.gather [hbm4b:s3+s8], $0x20, s22, s8, $0xb8;
	[tilespmem:$0xB400] =	vst v63  }
0x4c: {  	s22 =	sadd.s32 $0x380, s23  }
0x4d: {  	[tilespmem:s16], [sflag:$0x1] =	stream.indirect.gather [hbm4b:s3+s8], $0x20, s22, s8, $0xb8;
	[tilespmem:$0xB400] =	vst v63  }
0x4e: {  	_ =	swait.ge [sflag:s17], $0x1000  }
0x4f: {  	[sflag:s17] =	ssyncset.done $0x0  }
0x50: {  	[sflag:s17] =	ssyncadd.s32 $0xFFFFF000  }
0x51: {  	_ =	swait.ge [sflag:s17], $0x1000  }
0x52: {  	[sflag:s17] =	ssyncset.done $0x0  }
0x53: {  	[sflag:s17] =	ssyncadd.s32 $0xFFFFF000  }
0x54: {  	_ =	swait.ge [sflag:s17], $0x1000  }
0x55: {  	[sflag:s17] =	ssyncset.done $0x0  }
0x56: {  	[sflag:s17] =	ssyncadd.s32 $0xFFFFF000  }
0x57: {  	_ =	swait.ge [sflag:s17], $0x1000  }
0x58: {  	[sflag:s17] =	ssyncset.done $0x0  }
0x59: {  	[sflag:s17] =	ssyncadd.s32 $0xFFFFF000  }
0x5a: {  	_ =	swait.ge [sflag:s17], $0x1000  }
0x5b: {  	[sflag:s17] =	ssyncset.done $0x0  }
0x5c: {  	[sflag:s17] =	ssyncadd.s32 $0xFFFFF000  }
0x5d: {  	_ =	swait.ge [sflag:s17], $0x1000  }
0x5e: {  	[sflag:s17] =	ssyncset.done $0x0  }
0x5f: {  	[sflag:s17] =	ssyncadd.s32 $0xFFFFF000  }
0x60: {  	_ =	swait.ge [sflag:s17], $0x1000  }
0x61: {  	[sflag:s17] =	ssyncset.done $0x0  }
0x62: {  	[sflag:s17] =	ssyncadd.s32 $0xFFFFF000  }
0x63: {  	_ =	swait.ge [sflag:s17], $0x1000  }
.Ltmp0:
0x64: {  	[sflag:s17] =	ssyncset.done $0x0;
	(pc) =	sbr.rel @p0 .LBB2_2-.Ltmp0, $4  }
0x65: {  	s22 =	sadd.s32 s19, s6;
	s19 =	smov.u32 s21;
	[sflag:s17] =	ssyncadd.s32 $0xFFFFF000  }
0x66: {  	[hbm4b:s22+s2] =	stream.linear.scatter [tilespmem:s9], [sflag:$0x2], $0x8000, $0x38;
	[tilespmem:$0xB400] =	vst v63  }
0x67: {  	_ =	swait.ge [sflag:s7], $0x8000  }
0x68: {  	s22 =	smov.u32 s20;
	[sflag:s7] =	ssyncset.done $0x0  }
0x69: {  	s20 =	sshra.s32 s19, $0x2;
	[sflag:s7] =	ssyncadd.s32 $0xFFFF8000  }
0x6a: {  	[tilespmem:s9], [sflag:$0x1] =	stream.indirect.gather [hbm4b:s3+s8], $0x20, s20, s8, $0xb8;
	[tilespmem:$0xB400] =	vst v63  }
0x6b: {  	s21 =	sadd.s32 $0x80, s20  }
0x6c: {  	[tilespmem:s10], [sflag:$0x1] =	stream.indirect.gather [hbm4b:s3+s8], $0x20, s21, s8, $0xb8;
	[tilespmem:$0xB400] =	vst v63  }
0x6d: {  	s25 =	sadd.s32 $0x100, s20  }
0x6e: {  	[tilespmem:s11], [sflag:$0x1] =	stream.indirect.gather [hbm4b:s3+s8], $0x20, s25, s8, $0xb8;
	[tilespmem:$0xB400] =	vst v63  }
0x6f: {  	s26 =	sadd.s32 $0x180, s20  }
0x70: {  	[tilespmem:s12], [sflag:$0x1] =	stream.indirect.gather [hbm4b:s3+s8], $0x20, s26, s8, $0xb8;
	[tilespmem:$0xB400] =	vst v63  }
0x71: {  	s28 =	sadd.s32 $0x200, s20  }
0x72: {  	[tilespmem:s13], [sflag:$0x1] =	stream.indirect.gather [hbm4b:s3+s8], $0x20, s28, s8, $0xb8;
	[tilespmem:$0xB400] =	vst v63  }
0x73: {  	s29 =	sadd.s32 $0x280, s20  }
0x74: {  	[tilespmem:s14], [sflag:$0x1] =	stream.indirect.gather [hbm4b:s3+s8], $0x20, s29, s8, $0xb8;
	[tilespmem:$0xB400] =	vst v63  }
0x75: {  	s30 =	sadd.s32 $0x300, s20  }
0x76: {  	[tilespmem:s15], [sflag:$0x1] =	stream.indirect.gather [hbm4b:s3+s8], $0x20, s30, s8, $0xb8;
	[tilespmem:$0xB400] =	vst v63  }
0x77: {  	s20 =	sadd.s32 $0x380, s20  }
0x78: {  	[tilespmem:s16], [sflag:$0x1] =	stream.indirect.gather [hbm4b:s3+s8], $0x20, s20, s8, $0xb8;
	[tilespmem:$0xB400] =	vst v63  }
0x79: {  	_ =	swait.ge [sflag:s17], $0x1000  }
0x7a: {  	[sflag:s17] =	ssyncset.done $0x0  }
0x7b: {  	[sflag:s17] =	ssyncadd.s32 $0xFFFFF000  }
0x7c: {  	_ =	swait.ge [sflag:s17], $0x1000  }
0x7d: {  	[sflag:s17] =	ssyncset.done $0x0  }
0x7e: {  	[sflag:s17] =	ssyncadd.s32 $0xFFFFF000  }
0x7f: {  	_ =	swait.ge [sflag:s17], $0x1000  }
0x80: {  	[sflag:s17] =	ssyncset.done $0x0  }
0x81: {  	[sflag:s17] =	ssyncadd.s32 $0xFFFFF000  }
0x82: {  	_ =	swait.ge [sflag:s17], $0x1000  }
0x83: {  	[sflag:s17] =	ssyncset.done $0x0  }
0x84: {  	[sflag:s17] =	ssyncadd.s32 $0xFFFFF000  }
0x85: {  	_ =	swait.ge [sflag:s17], $0x1000  }
0x86: {  	[sflag:s17] =	ssyncset.done $0x0  }
0x87: {  	[sflag:s17] =	ssyncadd.s32 $0xFFFFF000  }
0x88: {  	_ =	swait.ge [sflag:s17], $0x1000  }
0x89: {  	[sflag:s17] =	ssyncset.done $0x0  }
0x8a: {  	[sflag:s17] =	ssyncadd.s32 $0xFFFFF000  }
0x8b: {  	_ =	swait.ge [sflag:s17], $0x1000  }
0x8c: {  	[sflag:s17] =	ssyncset.done $0x0  }
0x8d: {  	[sflag:s17] =	ssyncadd.s32 $0xFFFFF000  }
0x8e: {  	s18 =	sadd.s32 $0x1, s18;
	_ =	swait.ge [sflag:s17], $0x1000  }
0x8f: {  	p0 =	sne.s32 s18, s5;
	[sflag:s17] =	ssyncset.done $0x0  }
.Ltmp1:
0x90: {  	s31 =	sadd.s32 s19, s6;
	[sflag:s17] =	ssyncadd.s32 $0xFFFFF000;
	(pc) =	sbr.rel @p0 .LBB2_1-.Ltmp1, $4  }
0x91: {  	[hbm4b:s31+s2] =	stream.linear.scatter [tilespmem:s9], [sflag:$0x2], $0x8000, $0x38;
	[tilespmem:$0xB400] =	vst v63  }
0x92: {  	_ =	swait.ge [sflag:s7], $0x8000  }
0x93: {  	[sflag:s7] =	ssyncset.done $0x0  }
0x94: {  	[sflag:s7] =	ssyncadd.s32 $0xFFFF8000  }
0x95: {  	_ =	sfence.sel $0x180000  }
0x96: {  	[bflag:$0x0] =	sbarrier.arrive $0xFFFF  }
0x97: {  	p0 =	sne.s32 s1, $0x0;
	_ =	strace $0x90000047  }
0x98: {  	s0 =	sadd.s32 @!p0 $0x100000, s0;
	[bflag:$0x2] =	sbarrier.arrive $0xFFFF  }
0x99: {  	[sflag:s0] =	ssyncadd.tile.s32 @!p0 $0x1;
	_ =	shalt  }
.Lfunc_end2:
_tile_overlayer_lowered:
.L_overlay_start_2:
0x9a: {  	(tag) =	ssettag $0x2  }
0x9b: {  	s0 =	rddreg [dreg:$0x0];
	s2 =	stileid.u32  }
0x9c: {  	s1 =	rddreg [dreg:$0x1];
	p0 =	sne.s32 s2, $0x0  }
0x9d: {  	s3 =	rddreg [dreg:$0x2];
	[bflag:$0x3] =	sbarrier.arrive $0xFFFF;
	s2 =	simm.s32 @!p0 $0x1C02  }
0x9e: {  	[timem:s3], [sflag:s2] =	dma.local @!p0 [hbm:s0], s1  }
0x9f: {  	s0 =	simm.s32 @!p0 $0x2  }
0xa0: {  	_ =	swait.ge @!p0 [sflag:s0], s1  }
0xa1: {  	s1 =	ssub.s32 @!p0 $0x0, s1;
	[sflag:s0] =	ssyncset.done @!p0 $0x0  }
0xa2: {  	[sflag:s0] =	ssyncadd.s32 @!p0 s1  }
0xa3: {  	[bflag:$0x3] =	sbarrier.arrive $0xFFFF  }
0xa4: {  	_ =	shalt  }

</sc_bundles>
